<compile_context>
chip_gen: v7x
topology: tpu7x:2x2x1
jax: 0.10.2.dev20260603
libtpu: 0.0.44.dev20260713+nightly
codegen_flags: <defaults>
</compile_context>

<pallas_src>
import jax
import jax.numpy as jnp
from jax import lax
from jax.experimental import pallas as pl
from jax.experimental.pallas import tpu as pltpu
from jax.experimental.pallas import tpu_sc as plsc

_NC = 2
_NS = 16
_L = 16


def _sc_gather_kernel(D, x_ref, pos_ref, out_ref, idx_v, row_v, sem):
    wid = lax.axis_index("s") * _NC + lax.axis_index("c")
    q = idx_v.shape[0]
    pltpu.sync_copy(pos_ref, idx_v)
    off = wid * D
    for i in range(q // _L):
        sl = pl.ds(i * _L, _L)
        idx_v[sl] = idx_v[sl] + off
    pltpu.async_copy(x_ref.at[idx_v], row_v, sem).wait()
    pltpu.sync_copy(row_v, out_ref.at[wid])


def _gram_kernel(x_ref, m_ref, s_ref):
    g = pl.program_id(0)

    @pl.when(g == 0)
    def _init():
        s_ref[...] = jnp.zeros_like(s_ref)

    x = x_ref[...]
    bm = (m_ref[...] > 0).astype(jnp.float32)
    xb = x * bm
    x2b = x * xb
    lhs = jnp.concatenate([bm, xb, x2b], axis=0)
    rhs = jnp.concatenate([bm, xb], axis=0)
    s_ref[...] += jax.lax.dot_general(
        lhs, rhs, (((1,), (1,)), ((), ())), preferred_element_type=jnp.float32)


def _finish_kernel(s_ref, gall_ref, a_ref, out_ref):
    Tn = gall_ref.shape[0]
    Q = gall_ref.shape[1]
    R = Q // Tn
    S = s_ref[...]
    n = S[0:Tn, 0:Tn]
    p_xb = S[Tn:2 * Tn, 0:Tn]
    p_xx = S[Tn:2 * Tn, Tn:2 * Tn]
    p_x2b = S[2 * Tn:3 * Tn, 0:Tn]

    s1 = p_xb - p_xb.T
    s2 = p_x2b - 2.0 * p_xx + p_x2b.T
    n1 = jnp.maximum(n, 1.0)
    var = (s2 - s1 * s1 / n1) / jnp.maximum(n - 1.0, 1.0)
    std = jnp.sqrt(jnp.maximum(var, 0.0))

    ii = lax.broadcasted_iota(jnp.int32, (Tn, Tn), 0)
    jj = lax.broadcasted_iota(jnp.int32, (Tn, Tn), 1)
    eye = ii == jj
    dcol = jnp.sum(jnp.where(eye, n, 0.0), axis=1, keepdims=True)
    drow = jnp.sum(jnp.where(eye, n, 0.0), axis=0, keepdims=True)
    diffcount = dcol + drow - 2.0 * n
    inf = jnp.float32(jnp.inf)
    scores = jnp.where((diffcount > 0.0) & (~eye), std, inf)

    Gall = gall_ref[...]
    qi = lax.broadcasted_iota(jnp.int32, (Tn, Q), 0)
    qj = lax.broadcasted_iota(jnp.int32, (Tn, Q), 1)
    qmask = (qj // R) == qi
    a_row = a_ref[...]

    cur = scores
    negs = []
    rowsums = []
    for _ in range(3):
        mval = jnp.min(cur, axis=1, keepdims=True)
        is_min = cur == mval
        idx = jnp.min(jnp.where(is_min, jj, Tn), axis=1, keepdims=True)
        sel = (jj == idx).astype(jnp.float32)
        vk = jax.lax.dot_general(
            sel, Gall, (((1,), (0,)), ((), ())),
            preferred_element_type=jnp.float32)
        term = jnp.where(qmask, jnp.abs(a_row - vk), 0.0)
        rowsums.append(jnp.sum(term, axis=1, keepdims=True))
        negs.append(-mval)
        cur = jnp.where(jj == idx, inf, cur)

    negcat = jnp.concatenate(negs, axis=1)
    mx = jnp.max(negcat, axis=1, keepdims=True)
    e = jnp.exp(negcat - mx)
    w = e / jnp.sum(e, axis=1, keepdims=True)
    rs = jnp.concatenate(rowsums, axis=1)
    per_row = jnp.sum(w * rs, axis=1, keepdims=True)
    out_ref[...] = jnp.sum(per_row, axis=0, keepdims=True)


def kernel(X, A, M, T, nM, row_elements_pos, max_time):
    Tn, D = X.shape
    R = row_elements_pos.shape[1]
    Q = Tn * R
    CHUNK = 4096
    grid = D // CHUNK

    pos_flat = row_elements_pos.astype(jnp.int32).reshape(Q)
    a_row = A.astype(jnp.float32).reshape(1, Q)
    x_flat = X.reshape(Tn * D)

    mesh = plsc.VectorSubcoreMesh(core_axis_name="c", subcore_axis_name="s")
    gall = pl.kernel(
        lambda *refs: _sc_gather_kernel(D, *refs),
        out_type=jax.ShapeDtypeStruct((Tn, Q), jnp.float32),
        mesh=mesh,
        scratch_types=[
            pltpu.VMEM((Q,), jnp.int32),
            pltpu.VMEM((Q,), jnp.float32),
            pltpu.SemaphoreType.DMA,
        ],
    )(x_flat, pos_flat)

    gram = pl.pallas_call(
        _gram_kernel,
        grid=(grid,),
        in_specs=[
            pl.BlockSpec((Tn, CHUNK), lambda g: (0, g)),
            pl.BlockSpec((Tn, CHUNK), lambda g: (0, g)),
        ],
        out_specs=pl.BlockSpec((3 * Tn, 2 * Tn), lambda g: (0, 0)),
        out_shape=jax.ShapeDtypeStruct((3 * Tn, 2 * Tn), jnp.float32),
    )(X, M)

    out = pl.pallas_call(
        _finish_kernel,
        out_shape=jax.ShapeDtypeStruct((1, 1), jnp.float32),
    )(gram, gall, a_row)
    return jnp.reshape(out, ())

# --- scband reference (transcript-rebuilt; emitter-appended) ---
"""Pipeline reference for scband-element-loss-46720654246270 (READ-ONLY COPY).

The authoritative reference and input builder live on the scoring server;
editing this copy changes nothing except your own understanding.
"""

import jax, jax.numpy as jnp
import numpy as np


def setup_inputs(seed: int = 0) -> dict:
    key = jax.random.key(seed)
    k1, k2, k3, k4 = jax.random.split(key, 4)
    T, D, R = 32, 32768, 8
    X = jax.random.normal(k1, (T, D), dtype=jnp.float32)
    A = jax.random.normal(k2, (T * R,), dtype=jnp.float32)
    M = jax.random.randint(k3, (T, D), 0, 2).astype(jnp.int32)
    row_elements_pos = jax.random.randint(k4, (T, R), 0, D)
    return {"X": X, "A": A, "M": M, "T": T, "nM": 1,
            "row_elements_pos": row_elements_pos, "max_time": 1}


def reference(X, A, M, T, nM, row_elements_pos, max_time):
    Tn, D = X.shape
    R = row_elements_pos.shape[1]
    # Pairwise masked variance: for pair (i,j), selected = (X[i]-X[j]) where M[i]*M[j] > 0.
    # Unbiased var over selected = (sum(d^2) - sum(d)^2/n) / (n-1), computed via matmuls.
    Bm = (M > 0).astype(jnp.float32)
    XB = X * Bm
    X2B = X * X * Bm
    n = Bm @ Bm.T
    s1 = XB @ Bm.T - Bm @ XB.T
    s2 = X2B @ Bm.T - 2.0 * (XB @ XB.T) + Bm @ X2B.T
    n1 = jnp.maximum(n, 1.0)
    var = (s2 - s1 * s1 / n1) / jnp.maximum(n - 1.0, 1.0)
    std = jnp.sqrt(jnp.maximum(var, 0.0))
    # (M[i] != M[j]).any() gate: count of differing positions > 0
    Mf = M.astype(jnp.float32)
    srow = Mf.sum(axis=1)
    diffcount = srow[:, None] + srow[None, :] - 2.0 * (Mf @ Mf.T)
    eye = jnp.eye(Tn, dtype=bool)
    valid = (diffcount > 0) & (~eye)
    scores = jnp.where(valid, std, jnp.inf)
    # torch.topk(scores, 3, largest=False) -> 3 smallest; weight = softmax(-topk)
    neg_top, top_ind = jax.lax.top_k(-scores, 3)  # neg_top == -topk_values
    weight = jax.nn.softmax(neg_top, axis=1)
    # gather h_A[j, index] for each row i, neighbor slot k, missing position r
    vals = X[top_ind[:, :, None], row_elements_pos[:, None, :]]  # [T, 3, R]
    Ar = A.reshape(Tn, R)  # q iterates as q = i*R + r
    sim_loss = jnp.sum(weight[:, :, None] * jnp.abs(Ar[:, None, :] - vals))
    return sim_loss

if __name__ == "__main__":
    import jax
    _d = setup_inputs()
    print(jax.jit(kernel)(*tuple(_d.values())))

</pallas_src>

<mosaic_0001>
#map = affine_map<(d0, d1) -> (0)>
#map1 = affine_map<(d0, d1) -> (0, 0)>
module attributes {stable_mosaic.version = 14 : i64} {
  func.func @_lambda_(%arg0: i32, %arg1: i32, %arg2: memref<1048576xf32, #tpu.memory_space<hbm>>, %arg3: memref<256xi32, #tpu.memory_space<hbm>>, %arg4: memref<32x256xf32, #tpu.memory_space<hbm>>, %arg5: memref<256xi32, #tpu.memory_space<vmem>>, %arg6: memref<256xf32, #tpu.memory_space<vmem>>, %arg7: memref<!tpu.dma_semaphore, #tpu.memory_space<semaphore_mem>>) attributes {dimension_semantics = [#tpu.dimension_semantics<core_parallel>, #tpu.dimension_semantics<subcore_parallel>], iteration_bounds = array<i64: 2, 16>, scalar_prefetch = 0 : i64, scratch_operands = 3 : i64, tpu.core_type = #tpu.core_type<sc_vector_subcore>, window_params = [{transform_indices = #map}, {transform_indices = #map}, {transform_indices = #map1}]} {
    %mul3A = arith.constant 2 : i32
    %mul3A_0 = arith.muli %arg1, %mul3A : i32
    %add3A = arith.addi %mul3A_0, %arg0 : i32
    "tpu.region"() ({
      %run_scoped3A = tpu.sem_alloc : memref<!tpu.dma_semaphore, #tpu.memory_space<semaphore_mem>>
      tpu.enqueue_dma source(%arg3 : memref<256xi32, #tpu.memory_space<hbm>>) target(%arg5 : memref<256xi32, #tpu.memory_space<vmem>>) target_semaphore(%run_scoped3A : memref<!tpu.dma_semaphore, #tpu.memory_space<semaphore_mem>>)
      tpu.wait_dma2 semaphore(%run_scoped3A : memref<!tpu.dma_semaphore, #tpu.memory_space<semaphore_mem>>) src(%arg3 : memref<256xi32, #tpu.memory_space<hbm>>) dst(%arg5 : memref<256xi32, #tpu.memory_space<vmem>>)
      tpu.yield
    }) : () -> ()
    %mul3A_1 = arith.constant 32768 : i32
    %mul3A_2 = arith.muli %add3A, %mul3A_1 : i32
    %get3A = arith.constant 0 : index
    %get3A_3 = tpu.vector_load %arg5[%get3A] {strides = array<i32>} : memref<256xi32, #tpu.memory_space<vmem>>, vector<16xi32>,
    %get3A_4 = vector.shape_cast %get3A_3 : vector<16xi32> to vector<16xi32>
    %add3A_5 = vector.broadcast %mul3A_2 : i32 to vector<16xi32>
    %add3A_6 = arith.addi %get3A_4, %add3A_5 : vector<16xi32>
    %swap3A = arith.constant 0 : index
    %swap3A_7 = tpu.vector_load %arg5[%swap3A] {strides = array<i32>} : memref<256xi32, #tpu.memory_space<vmem>>, vector<16xi32>,
    %swap3A_8 = vector.shape_cast %swap3A_7 : vector<16xi32> to vector<16xi32>
    %swap3A_9 = vector.shape_cast %add3A_6 : vector<16xi32> to vector<16xi32>
    tpu.vector_store %arg5[%swap3A], %swap3A_9 {strides = array<i32>} : memref<256xi32, #tpu.memory_space<vmem>>, vector<16xi32>,
    %get3A_10 = arith.constant 16 : index
    %get3A_11 = tpu.vector_load %arg5[%get3A_10] {strides = array<i32>} : memref<256xi32, #tpu.memory_space<vmem>>, vector<16xi32>,
    %get3A_12 = vector.shape_cast %get3A_11 : vector<16xi32> to vector<16xi32>
    %add3A_13 = vector.broadcast %mul3A_2 : i32 to vector<16xi32>
    %add3A_14 = arith.addi %get3A_12, %add3A_13 : vector<16xi32>
    %swap3A_15 = arith.constant 16 : index
    %swap3A_16 = tpu.vector_load %arg5[%swap3A_15] {strides = array<i32>} : memref<256xi32, #tpu.memory_space<vmem>>, vector<16xi32>,
    %swap3A_17 = vector.shape_cast %swap3A_16 : vector<16xi32> to vector<16xi32>
    %swap3A_18 = vector.shape_cast %add3A_14 : vector<16xi32> to vector<16xi32>
    tpu.vector_store %arg5[%swap3A_15], %swap3A_18 {strides = array<i32>} : memref<256xi32, #tpu.memory_space<vmem>>, vector<16xi32>,
    %get3A_19 = arith.constant 32 : index
    %get3A_20 = tpu.vector_load %arg5[%get3A_19] {strides = array<i32>} : memref<256xi32, #tpu.memory_space<vmem>>, vector<16xi32>,
    %get3A_21 = vector.shape_cast %get3A_20 : vector<16xi32> to vector<16xi32>
    %add3A_22 = vector.broadcast %mul3A_2 : i32 to vector<16xi32>
    %add3A_23 = arith.addi %get3A_21, %add3A_22 : vector<16xi32>
    %swap3A_24 = arith.constant 32 : index
    %swap3A_25 = tpu.vector_load %arg5[%swap3A_24] {strides = array<i32>} : memref<256xi32, #tpu.memory_space<vmem>>, vector<16xi32>,
    %swap3A_26 = vector.shape_cast %swap3A_25 : vector<16xi32> to vector<16xi32>
    %swap3A_27 = vector.shape_cast %add3A_23 : vector<16xi32> to vector<16xi32>
    tpu.vector_store %arg5[%swap3A_24], %swap3A_27 {strides = array<i32>} : memref<256xi32, #tpu.memory_space<vmem>>, vector<16xi32>,
    %get3A_28 = arith.constant 48 : index
    %get3A_29 = tpu.vector_load %arg5[%get3A_28] {strides = array<i32>} : memref<256xi32, #tpu.memory_space<vmem>>, vector<16xi32>,
    %get3A_30 = vector.shape_cast %get3A_29 : vector<16xi32> to vector<16xi32>
    %add3A_31 = vector.broadcast %mul3A_2 : i32 to vector<16xi32>
    %add3A_32 = arith.addi %get3A_30, %add3A_31 : vector<16xi32>
    %swap3A_33 = arith.constant 48 : index
    %swap3A_34 = tpu.vector_load %arg5[%swap3A_33] {strides = array<i32>} : memref<256xi32, #tpu.memory_space<vmem>>, vector<16xi32>,
    %swap3A_35 = vector.shape_cast %swap3A_34 : vector<16xi32> to vector<16xi32>
    %swap3A_36 = vector.shape_cast %add3A_32 : vector<16xi32> to vector<16xi32>
    tpu.vector_store %arg5[%swap3A_33], %swap3A_36 {strides = array<i32>} : memref<256xi32, #tpu.memory_space<vmem>>, vector<16xi32>,
    %get3A_37 = arith.constant 64 : index
    %get3A_38 = tpu.vector_load %arg5[%get3A_37] {strides = array<i32>} : memref<256xi32, #tpu.memory_space<vmem>>, vector<16xi32>,
    %get3A_39 = vector.shape_cast %get3A_38 : vector<16xi32> to vector<16xi32>
    %add3A_40 = vector.broadcast %mul3A_2 : i32 to vector<16xi32>
    %add3A_41 = arith.addi %get3A_39, %add3A_40 : vector<16xi32>
    %swap3A_42 = arith.constant 64 : index
    %swap3A_43 = tpu.vector_load %arg5[%swap3A_42] {strides = array<i32>} : memref<256xi32, #tpu.memory_space<vmem>>, vector<16xi32>,
    %swap3A_44 = vector.shape_cast %swap3A_43 : vector<16xi32> to vector<16xi32>
    %swap3A_45 = vector.shape_cast %add3A_41 : vector<16xi32> to vector<16xi32>
    tpu.vector_store %arg5[%swap3A_42], %swap3A_45 {strides = array<i32>} : memref<256xi32, #tpu.memory_space<vmem>>, vector<16xi32>,
    %get3A_46 = arith.constant 80 : index
    %get3A_47 = tpu.vector_load %arg5[%get3A_46] {strides = array<i32>} : memref<256xi32, #tpu.memory_space<vmem>>, vector<16xi32>,
    %get3A_48 = vector.shape_cast %get3A_47 : vector<16xi32> to vector<16xi32>
    %add3A_49 = vector.broadcast %mul3A_2 : i32 to vector<16xi32>
    %add3A_50 = arith.addi %get3A_48, %add3A_49 : vector<16xi32>
    %swap3A_51 = arith.constant 80 : index
    %swap3A_52 = tpu.vector_load %arg5[%swap3A_51] {strides = array<i32>} : memref<256xi32, #tpu.memory_space<vmem>>, vector<16xi32>,
    %swap3A_53 = vector.shape_cast %swap3A_52 : vector<16xi32> to vector<16xi32>
    %swap3A_54 = vector.shape_cast %add3A_50 : vector<16xi32> to vector<16xi32>
    tpu.vector_store %arg5[%swap3A_51], %swap3A_54 {strides = array<i32>} : memref<256xi32, #tpu.memory_space<vmem>>, vector<16xi32>,
    %get3A_55 = arith.constant 96 : index
    %get3A_56 = tpu.vector_load %arg5[%get3A_55] {strides = array<i32>} : memref<256xi32, #tpu.memory_space<vmem>>, vector<16xi32>,
    %get3A_57 = vector.shape_cast %get3A_56 : vector<16xi32> to vector<16xi32>
    %add3A_58 = vector.broadcast %mul3A_2 : i32 to vector<16xi32>
    %add3A_59 = arith.addi %get3A_57, %add3A_58 : vector<16xi32>
    %swap3A_60 = arith.constant 96 : index
    %swap3A_61 = tpu.vector_load %arg5[%swap3A_60] {strides = array<i32>} : memref<256xi32, #tpu.memory_space<vmem>>, vector<16xi32>,
    %swap3A_62 = vector.shape_cast %swap3A_61 : vector<16xi32> to vector<16xi32>
    %swap3A_63 = vector.shape_cast %add3A_59 : vector<16xi32> to vector<16xi32>
    tpu.vector_store %arg5[%swap3A_60], %swap3A_63 {strides = array<i32>} : memref<256xi32, #tpu.memory_space<vmem>>, vector<16xi32>,
    %get3A_64 = arith.constant 112 : index
    %get3A_65 = tpu.vector_load %arg5[%get3A_64] {strides = array<i32>} : memref<256xi32, #tpu.memory_space<vmem>>, vector<16xi32>,
    %get3A_66 = vector.shape_cast %get3A_65 : vector<16xi32> to vector<16xi32>
    %add3A_67 = vector.broadcast %mul3A_2 : i32 to vector<16xi32>
    %add3A_68 = arith.addi %get3A_66, %add3A_67 : vector<16xi32>
    %swap3A_69 = arith.constant 112 : index
    %swap3A_70 = tpu.vector_load %arg5[%swap3A_69] {strides = array<i32>} : memref<256xi32, #tpu.memory_space<vmem>>, vector<16xi32>,
    %swap3A_71 = vector.shape_cast %swap3A_70 : vector<16xi32> to vector<16xi32>
    %swap3A_72 = vector.shape_cast %add3A_68 : vector<16xi32> to vector<16xi32>
    tpu.vector_store %arg5[%swap3A_69], %swap3A_72 {strides = array<i32>} : memref<256xi32, #tpu.memory_space<vmem>>, vector<16xi32>,
    %get3A_73 = arith.constant 128 : index
    %get3A_74 = tpu.vector_load %arg5[%get3A_73] {strides = array<i32>} : memref<256xi32, #tpu.memory_space<vmem>>, vector<16xi32>,
    %get3A_75 = vector.shape_cast %get3A_74 : vector<16xi32> to vector<16xi32>
    %add3A_76 = vector.broadcast %mul3A_2 : i32 to vector<16xi32>
    %add3A_77 = arith.addi %get3A_75, %add3A_76 : vector<16xi32>
    %swap3A_78 = arith.constant 128 : index
    %swap3A_79 = tpu.vector_load %arg5[%swap3A_78] {strides = array<i32>} : memref<256xi32, #tpu.memory_space<vmem>>, vector<16xi32>,
    %swap3A_80 = vector.shape_cast %swap3A_79 : vector<16xi32> to vector<16xi32>
    %swap3A_81 = vector.shape_cast %add3A_77 : vector<16xi32> to vector<16xi32>
    tpu.vector_store %arg5[%swap3A_78], %swap3A_81 {strides = array<i32>} : memref<256xi32, #tpu.memory_space<vmem>>, vector<16xi32>,
    %get3A_82 = arith.constant 144 : index
    %get3A_83 = tpu.vector_load %arg5[%get3A_82] {strides = array<i32>} : memref<256xi32, #tpu.memory_space<vmem>>, vector<16xi32>,
    %get3A_84 = vector.shape_cast %get3A_83 : vector<16xi32> to vector<16xi32>
    %add3A_85 = vector.broadcast %mul3A_2 : i32 to vector<16xi32>
    %add3A_86 = arith.addi %get3A_84, %add3A_85 : vector<16xi32>
    %swap3A_87 = arith.constant 144 : index
    %swap3A_88 = tpu.vector_load %arg5[%swap3A_87] {strides = array<i32>} : memref<256xi32, #tpu.memory_space<vmem>>, vector<16xi32>,
    %swap3A_89 = vector.shape_cast %swap3A_88 : vector<16xi32> to vector<16xi32>
    %swap3A_90 = vector.shape_cast %add3A_86 : vector<16xi32> to vector<16xi32>
    tpu.vector_store %arg5[%swap3A_87], %swap3A_90 {strides = array<i32>} : memref<256xi32, #tpu.memory_space<vmem>>, vector<16xi32>,
    %get3A_91 = arith.constant 160 : index
    %get3A_92 = tpu.vector_load %arg5[%get3A_91] {strides = array<i32>} : memref<256xi32, #tpu.memory_space<vmem>>, vector<16xi32>,
    %get3A_93 = vector.shape_cast %get3A_92 : vector<16xi32> to vector<16xi32>
    %add3A_94 = vector.broadcast %mul3A_2 : i32 to vector<16xi32>
    %add3A_95 = arith.addi %get3A_93, %add3A_94 : vector<16xi32>
    %swap3A_96 = arith.constant 160 : index
    %swap3A_97 = tpu.vector_load %arg5[%swap3A_96] {strides = array<i32>} : memref<256xi32, #tpu.memory_space<vmem>>, vector<16xi32>,
    %swap3A_98 = vector.shape_cast %swap3A_97 : vector<16xi32> to vector<16xi32>
    %swap3A_99 = vector.shape_cast %add3A_95 : vector<16xi32> to vector<16xi32>
    tpu.vector_store %arg5[%swap3A_96], %swap3A_99 {strides = array<i32>} : memref<256xi32, #tpu.memory_space<vmem>>, vector<16xi32>,
    %get3A_100 = arith.constant 176 : index
    %get3A_101 = tpu.vector_load %arg5[%get3A_100] {strides = array<i32>} : memref<256xi32, #tpu.memory_space<vmem>>, vector<16xi32>,
    %get3A_102 = vector.shape_cast %get3A_101 : vector<16xi32> to vector<16xi32>
    %add3A_103 = vector.broadcast %mul3A_2 : i32 to vector<16xi32>
    %add3A_104 = arith.addi %get3A_102, %add3A_103 : vector<16xi32>
    %swap3A_105 = arith.constant 176 : index
    %swap3A_106 = tpu.vector_load %arg5[%swap3A_105] {strides = array<i32>} : memref<256xi32, #tpu.memory_space<vmem>>, vector<16xi32>,
    %swap3A_107 = vector.shape_cast %swap3A_106 : vector<16xi32> to vector<16xi32>
    %swap3A_108 = vector.shape_cast %add3A_104 : vector<16xi32> to vector<16xi32>
    tpu.vector_store %arg5[%swap3A_105], %swap3A_108 {strides = array<i32>} : memref<256xi32, #tpu.memory_space<vmem>>, vector<16xi32>,
    %get3A_109 = arith.constant 192 : index
    %get3A_110 = tpu.vector_load %arg5[%get3A_109] {strides = array<i32>} : memref<256xi32, #tpu.memory_space<vmem>>, vector<16xi32>,
    %get3A_111 = vector.shape_cast %get3A_110 : vector<16xi32> to vector<16xi32>
    %add3A_112 = vector.broadcast %mul3A_2 : i32 to vector<16xi32>
    %add3A_113 = arith.addi %get3A_111, %add3A_112 : vector<16xi32>
    %swap3A_114 = arith.constant 192 : index
    %swap3A_115 = tpu.vector_load %arg5[%swap3A_114] {strides = array<i32>} : memref<256xi32, #tpu.memory_space<vmem>>, vector<16xi32>,
    %swap3A_116 = vector.shape_cast %swap3A_115 : vector<16xi32> to vector<16xi32>
    %swap3A_117 = vector.shape_cast %add3A_113 : vector<16xi32> to vector<16xi32>
    tpu.vector_store %arg5[%swap3A_114], %swap3A_117 {strides = array<i32>} : memref<256xi32, #tpu.memory_space<vmem>>, vector<16xi32>,
    %get3A_118 = arith.constant 208 : index
    %get3A_119 = tpu.vector_load %arg5[%get3A_118] {strides = array<i32>} : memref<256xi32, #tpu.memory_space<vmem>>, vector<16xi32>,
    %get3A_120 = vector.shape_cast %get3A_119 : vector<16xi32> to vector<16xi32>
    %add3A_121 = vector.broadcast %mul3A_2 : i32 to vector<16xi32>
    %add3A_122 = arith.addi %get3A_120, %add3A_121 : vector<16xi32>
    %swap3A_123 = arith.constant 208 : index
    %swap3A_124 = tpu.vector_load %arg5[%swap3A_123] {strides = array<i32>} : memref<256xi32, #tpu.memory_space<vmem>>, vector<16xi32>,
    %swap3A_125 = vector.shape_cast %swap3A_124 : vector<16xi32> to vector<16xi32>
    %swap3A_126 = vector.shape_cast %add3A_122 : vector<16xi32> to vector<16xi32>
    tpu.vector_store %arg5[%swap3A_123], %swap3A_126 {strides = array<i32>} : memref<256xi32, #tpu.memory_space<vmem>>, vector<16xi32>,
    %get3A_127 = arith.constant 224 : index
    %get3A_128 = tpu.vector_load %arg5[%get3A_127] {strides = array<i32>} : memref<256xi32, #tpu.memory_space<vmem>>, vector<16xi32>,
    %get3A_129 = vector.shape_cast %get3A_128 : vector<16xi32> to vector<16xi32>
    %add3A_130 = vector.broadcast %mul3A_2 : i32 to vector<16xi32>
    %add3A_131 = arith.addi %get3A_129, %add3A_130 : vector<16xi32>
    %swap3A_132 = arith.constant 224 : index
    %swap3A_133 = tpu.vector_load %arg5[%swap3A_132] {strides = array<i32>} : memref<256xi32, #tpu.memory_space<vmem>>, vector<16xi32>,
    %swap3A_134 = vector.shape_cast %swap3A_133 : vector<16xi32> to vector<16xi32>
    %swap3A_135 = vector.shape_cast %add3A_131 : vector<16xi32> to vector<16xi32>
    tpu.vector_store %arg5[%swap3A_132], %swap3A_135 {strides = array<i32>} : memref<256xi32, #tpu.memory_space<vmem>>, vector<16xi32>,
    %get3A_136 = arith.constant 240 : index
    %get3A_137 = tpu.vector_load %arg5[%get3A_136] {strides = array<i32>} : memref<256xi32, #tpu.memory_space<vmem>>, vector<16xi32>,
    %get3A_138 = vector.shape_cast %get3A_137 : vector<16xi32> to vector<16xi32>
    %add3A_139 = vector.broadcast %mul3A_2 : i32 to vector<16xi32>
    %add3A_140 = arith.addi %get3A_138, %add3A_139 : vector<16xi32>
    %swap3A_141 = arith.constant 240 : index
    %swap3A_142 = tpu.vector_load %arg5[%swap3A_141] {strides = array<i32>} : memref<256xi32, #tpu.memory_space<vmem>>, vector<16xi32>,
    %swap3A_143 = vector.shape_cast %swap3A_142 : vector<16xi32> to vector<16xi32>
    %swap3A_144 = vector.shape_cast %add3A_140 : vector<16xi32> to vector<16xi32>
    tpu.vector_store %arg5[%swap3A_141], %swap3A_144 {strides = array<i32>} : memref<256xi32, #tpu.memory_space<vmem>>, vector<16xi32>,
    %dma_start3A = arith.constant 0 : i32
    %dma_start3A_145 = tpu.memref_slice %arg2[%dma_start3A] : memref<1048576xf32, #tpu.memory_space<hbm>> -> memref<1048576xf32, #tpu.memory_space<hbm>>
    tpu.enqueue_indirect_dma source(%dma_start3A_145 : memref<1048576xf32, #tpu.memory_space<hbm>>) target(%arg6 : memref<256xf32, #tpu.memory_space<vmem>>) offsets(%arg5 : memref<256xi32, #tpu.memory_space<vmem>>) semaphore(%arg7 : memref<!tpu.dma_semaphore, #tpu.memory_space<semaphore_mem>>)
    %dma_wait3A = arith.constant 0 : i32
    %dma_wait3A_146 = tpu.memref_slice %arg2[%dma_wait3A] : memref<1048576xf32, #tpu.memory_space<hbm>> -> memref<1048576xf32, #tpu.memory_space<hbm>>
    tpu.wait_indirect_dma semaphore(%arg7 : memref<!tpu.dma_semaphore, #tpu.memory_space<semaphore_mem>>) src(%dma_wait3A_146 : memref<1048576xf32, #tpu.memory_space<hbm>>) dst(%arg6 : memref<256xf32, #tpu.memory_space<vmem>>)
    "tpu.region"() ({
      %run_scoped3A = tpu.sem_alloc : memref<!tpu.dma_semaphore, #tpu.memory_space<semaphore_mem>>
      %dma_start3A_147 = arith.constant 0 : i32
      %dma_start3A_148 = tpu.memref_slice %arg4[%add3A, %dma_start3A_147] : memref<32x256xf32, #tpu.memory_space<hbm>> -> memref<1x256xf32, #tpu.memory_space<hbm>>
      %dma_start3A_149 = tpu.memref_squeeze %dma_start3A_148 : memref<1x256xf32, #tpu.memory_space<hbm>> -> memref<256xf32, #tpu.memory_space<hbm>>
      %dma_start3A_150 = arith.constant 0 : i32
      %dma_start3A_151 = tpu.memref_slice %arg4[%add3A, %dma_start3A_150] : memref<32x256xf32, #tpu.memory_space<hbm>> -> memref<1x256xf32, #tpu.memory_space<hbm>>
      %dma_start3A_152 = tpu.memref_squeeze %dma_start3A_151 : memref<1x256xf32, #tpu.memory_space<hbm>> -> memref<256xf32, #tpu.memory_space<hbm>>
      tpu.enqueue_dma source(%arg6 : memref<256xf32, #tpu.memory_space<vmem>>) target(%dma_start3A_152 : memref<256xf32, #tpu.memory_space<hbm>>) target_semaphore(%run_scoped3A : memref<!tpu.dma_semaphore, #tpu.memory_space<semaphore_mem>>)
      %dma_wait3A_153 = arith.constant 0 : i32
      %dma_wait3A_154 = tpu.memref_slice %arg4[%add3A, %dma_wait3A_153] : memref<32x256xf32, #tpu.memory_space<hbm>> -> memref<1x256xf32, #tpu.memory_space<hbm>>
      %dma_wait3A_155 = tpu.memref_squeeze %dma_wait3A_154 : memref<1x256xf32, #tpu.memory_space<hbm>> -> memref<256xf32, #tpu.memory_space<hbm>>
      %dma_wait3A_156 = arith.constant 0 : i32
      %dma_wait3A_157 = tpu.memref_slice %arg4[%add3A, %dma_wait3A_156] : memref<32x256xf32, #tpu.memory_space<hbm>> -> memref<1x256xf32, #tpu.memory_space<hbm>>
      %dma_wait3A_158 = tpu.memref_squeeze %dma_wait3A_157 : memref<1x256xf32, #tpu.memory_space<hbm>> -> memref<256xf32, #tpu.memory_space<hbm>>
      tpu.wait_dma2 semaphore(%run_scoped3A : memref<!tpu.dma_semaphore, #tpu.memory_space<semaphore_mem>>) src(%arg6 : memref<256xf32, #tpu.memory_space<vmem>>) dst(%dma_wait3A_158 : memref<256xf32, #tpu.memory_space<hbm>>)
      tpu.yield
    }) : () -> ()
    return
  }
}

module attributes {stable_mosaic.version = 14 : i64} {
  func.func @_gram_kernel(%arg0: i32, %arg1: memref<32x4096xf32, #tpu.memory_space<vmem>>, %arg2: memref<32x4096xi32, #tpu.memory_space<vmem>>, %arg3: memref<96x64xf32, #tpu.memory_space<vmem>>) attributes {dimension_semantics = [#tpu.dimension_semantics<arbitrary>], iteration_bounds = array<i64: 8>, scalar_prefetch = 0 : i64, scratch_operands = 0 : i64, tpu.core_type = #tpu.core_type<tc>, window_params = [{transform_indices = @transform_0, window_bounds = array<i64: 32, 4096>}, {transform_indices = @transform_1, window_bounds = array<i64: 32, 4096>}, {pipeline_mode = #tpu.pipeline_mode<synchronous>, transform_indices = @transform_2, window_bounds = array<i64: 96, 64>}]} {
    %eq3A = arith.constant 0 : i32
    %eq3A_0 = arith.cmpi eq, %arg0, %eq3A : i32
    %convert_element_type3A = arith.extui %eq3A_0 : i1 to i32
    %cond3A = arith.constant 0 : i32
    %cond3A_1 = arith.cmpi ne, %convert_element_type3A, %cond3A : i32
    scf.if %cond3A_1 {
      %broadcast_in_dim3A = arith.constant 0.000000e+00 : f32
      %broadcast_in_dim3A_19 = vector.broadcast %broadcast_in_dim3A : f32 to vector<96x64xf32>
      %swap3A_20 = arith.constant 0 : index
      %swap3A_21 = arith.constant 0 : index
      %swap3A_22 = vector.load %arg3[%swap3A_20, %swap3A_21] : memref<96x64xf32, #tpu.memory_space<vmem>>, vector<96x64xf32>
      tpu.vector_store %arg3[%swap3A_20, %swap3A_21], %broadcast_in_dim3A_19 {strides = array<i32>} : memref<96x64xf32, #tpu.memory_space<vmem>>, vector<96x64xf32>,
    } else {
    }
    %get3A = arith.constant 0 : index
    %get3A_2 = arith.constant 0 : index
    %get3A_3 = vector.load %arg1[%get3A, %get3A_2] : memref<32x4096xf32, #tpu.memory_space<vmem>>, vector<32x4096xf32>
    %get3A_4 = arith.constant 0 : index
    %get3A_5 = arith.constant 0 : index
    %get3A_6 = vector.load %arg2[%get3A_4, %get3A_5] : memref<32x4096xi32, #tpu.memory_space<vmem>>, vector<32x4096xi32>
    %gt3A = arith.constant 0 : i32
    %gt3A_7 = vector.broadcast %gt3A : i32 to vector<32x4096xi32>
    %gt3A_8 = arith.cmpi sgt, %get3A_6, %gt3A_7 : vector<32x4096xi32>
    %convert_element_type3A_9 = arith.extui %gt3A_8 : vector<32x4096xi1> to vector<32x4096xi32>
    %convert_element_type3A_10 = arith.sitofp %convert_element_type3A_9 : vector<32x4096xi32> to vector<32x4096xf32>
    %mul3A = arith.mulf %get3A_3, %convert_element_type3A_10 : vector<32x4096xf32>
    %mul3A_11 = arith.mulf %get3A_3, %mul3A : vector<32x4096xf32>
    %concatenate3A = tpu.concatenate %convert_element_type3A_10, %mul3A, %mul3A_11 in 0 : vector<32x4096xf32>, vector<32x4096xf32>, vector<32x4096xf32> -> vector<96x4096xf32>
    %concatenate3A_12 = tpu.concatenate %convert_element_type3A_10, %mul3A in 0 : vector<32x4096xf32>, vector<32x4096xf32> -> vector<64x4096xf32>
    %get3A_13 = arith.constant 0 : index
    %get3A_14 = arith.constant 0 : index
    %get3A_15 = vector.load %arg3[%get3A_13, %get3A_14] : memref<96x64xf32, #tpu.memory_space<vmem>>, vector<96x64xf32>
    %dot_general3A = arith.constant dense<0.000000e+00> : vector<96x64xf32>
    %dot_general3A_16 = tpu.matmul %concatenate3A, %concatenate3A_12, %dot_general3A {dimension_numbers = #tpu.dot_dimension_numbers<[1], [1], [0], [0], [0, 0, 1, 0], [], []>, transpose_lhs_hint = false} : vector<96x4096xf32>, vector<64x4096xf32>, vector<96x64xf32> -> vector<96x64xf32>
    %add3A = arith.addf %get3A_15, %dot_general3A_16 : vector<96x64xf32>
    %swap3A = arith.constant 0 : index
    %swap3A_17 = arith.constant 0 : index
    %swap3A_18 = vector.load %arg3[%swap3A, %swap3A_17] : memref<96x64xf32, #tpu.memory_space<vmem>>, vector<96x64xf32>
    tpu.vector_store %arg3[%swap3A, %swap3A_17], %add3A {strides = array<i32>} : memref<96x64xf32, #tpu.memory_space<vmem>>, vector<96x64xf32>,
    return
  }
  func.func @transform_0(%arg0: i32) -> (i32, i32) {
    %c0_i32 = arith.constant 0 : i32
    %c0_i32_0 = arith.constant 0 : i32
    return %c0_i32, %arg0 : i32, i32
  }
  func.func @transform_1(%arg0: i32) -> (i32, i32) {
    %c0_i32 = arith.constant 0 : i32
    %c0_i32_0 = arith.constant 0 : i32
    return %c0_i32, %arg0 : i32, i32
  }
  func.func @transform_2(%arg0: i32) -> (i32, i32) {
    %c0_i32 = arith.constant 0 : i32
    %c0_i32_0 = arith.constant 0 : i32
    %c0_i32_1 = arith.constant 0 : i32
    return %c0_i32, %c0_i32_0 : i32, i32
  }
}

module attributes {stable_mosaic.version = 14 : i64} {
  func.func @_finish_kernel(%arg0: memref<96x64xf32, #tpu.memory_space<vmem>>, %arg1: memref<32x256xf32, #tpu.memory_space<vmem>>, %arg2: memref<1x256xf32, #tpu.memory_space<vmem>>, %arg3: memref<1x1xf32, #tpu.memory_space<vmem>>) attributes {dimension_semantics = [], scalar_prefetch = 0 : i64, scratch_operands = 0 : i64, tpu.core_type = #tpu.core_type<tc>} {
    %get3A = arith.constant 0 : index
    %get3A_0 = arith.constant 0 : index
    %get3A_1 = vector.load %arg0[%get3A, %get3A_0] : memref<96x64xf32, #tpu.memory_space<vmem>>, vector<96x64xf32>
    %slice3A = vector.extract_strided_slice %get3A_1 {offsets = [0, 0], sizes = [32, 32], strides = [1, 1]} : vector<96x64xf32> to vector<32x32xf32>
    %slice3A_2 = vector.extract_strided_slice %get3A_1 {offsets = [32, 0], sizes = [32, 32], strides = [1, 1]} : vector<96x64xf32> to vector<32x32xf32>
    %slice3A_3 = vector.extract_strided_slice %get3A_1 {offsets = [32, 32], sizes = [32, 32], strides = [1, 1]} : vector<96x64xf32> to vector<32x32xf32>
    %slice3A_4 = vector.extract_strided_slice %get3A_1 {offsets = [64, 0], sizes = [32, 32], strides = [1, 1]} : vector<96x64xf32> to vector<32x32xf32>
    %transpose3A = tpu.transpose %slice3A_2, [1, 0] : vector<32x32xf32> -> vector<32x32xf32>
    %sub3A = arith.subf %slice3A_2, %transpose3A : vector<32x32xf32>
    %mul3A = arith.constant 2.000000e+00 : f32
    %mul3A_5 = vector.broadcast %mul3A : f32 to vector<32x32xf32>
    %mul3A_6 = arith.mulf %mul3A_5, %slice3A_3 : vector<32x32xf32>
    %sub3A_7 = arith.subf %slice3A_4, %mul3A_6 : vector<32x32xf32>
    %transpose3A_8 = tpu.transpose %slice3A_4, [1, 0] : vector<32x32xf32> -> vector<32x32xf32>
    %add3A = arith.addf %sub3A_7, %transpose3A_8 : vector<32x32xf32>
    %max3A = arith.constant 1.000000e+00 : f32
    %max3A_9 = vector.broadcast %max3A : f32 to vector<32x32xf32>
    %max3A_10 = arith.maximumf %slice3A, %max3A_9 : vector<32x32xf32>
    %mul3A_11 = arith.mulf %sub3A, %sub3A : vector<32x32xf32>
    %div3A = arith.divf %mul3A_11, %max3A_10 : vector<32x32xf32>
    %sub3A_12 = arith.subf %add3A, %div3A : vector<32x32xf32>
    %sub3A_13 = arith.constant 1.000000e+00 : f32
    %sub3A_14 = vector.broadcast %sub3A_13 : f32 to vector<32x32xf32>
    %sub3A_15 = arith.subf %slice3A, %sub3A_14 : vector<32x32xf32>
    %max3A_16 = arith.constant 1.000000e+00 : f32
    %max3A_17 = vector.broadcast %max3A_16 : f32 to vector<32x32xf32>
    %max3A_18 = arith.maximumf %sub3A_15, %max3A_17 : vector<32x32xf32>
    %div3A_19 = arith.divf %sub3A_12, %max3A_18 : vector<32x32xf32>
    %max3A_20 = arith.constant 0.000000e+00 : f32
    %max3A_21 = vector.broadcast %max3A_20 : f32 to vector<32x32xf32>
    %max3A_22 = arith.maximumf %div3A_19, %max3A_21 : vector<32x32xf32>
    %sqrt3A = math.sqrt %max3A_22 : vector<32x32xf32>
    %iota3A = tpu.iota {dimensions = array<i32: 0>} : vector<32x32xi32>
    %iota3A_23 = tpu.iota {dimensions = array<i32: 1>} : vector<32x32xi32>
    %eq3A = arith.cmpi eq, %iota3A, %iota3A_23 : vector<32x32xi32>
    %jit3A = arith.constant 0.000000e+00 : f32
    %broadcast_in_dim3A = vector.broadcast %jit3A : f32 to vector<32x32xf32>
    %select_n3A = arith.select %eq3A, %slice3A, %broadcast_in_dim3A : vector<32x32xi1>, vector<32x32xf32>
    %reduce_sum3A = arith.constant dense<0.000000e+00> : vector<32xf32>
    %reduce_sum3A_24 = vector.multi_reduction <add>, %select_n3A, %reduce_sum3A [1] : vector<32x32xf32> to vector<32xf32>
    %broadcast_in_dim3A_25 = vector.shape_cast %reduce_sum3A_24 : vector<32xf32> to vector<32x1xf32>
    %jit3A_26 = arith.constant 0.000000e+00 : f32
    %broadcast_in_dim3A_27 = vector.broadcast %jit3A_26 : f32 to vector<32x32xf32>
    %select_n3A_28 = arith.select %eq3A, %slice3A, %broadcast_in_dim3A_27 : vector<32x32xi1>, vector<32x32xf32>
    %reduce_sum3A_29 = arith.constant dense<0.000000e+00> : vector<32xf32>
    %reduce_sum3A_30 = vector.multi_reduction <add>, %select_n3A_28, %reduce_sum3A_29 [0] : vector<32x32xf32> to vector<32xf32>
    %broadcast_in_dim3A_31 = vector.shape_cast %reduce_sum3A_30 : vector<32xf32> to vector<1x32xf32>
    %add3A_32 = vector.broadcast %broadcast_in_dim3A_25 : vector<32x1xf32> to vector<32x32xf32>
    %add3A_33 = vector.broadcast %broadcast_in_dim3A_31 : vector<1x32xf32> to vector<32x32xf32>
    %add3A_34 = arith.addf %add3A_32, %add3A_33 : vector<32x32xf32>
    %mul3A_35 = arith.constant 2.000000e+00 : f32
    %mul3A_36 = vector.broadcast %mul3A_35 : f32 to vector<32x32xf32>
    %mul3A_37 = arith.mulf %mul3A_36, %slice3A : vector<32x32xf32>
    %sub3A_38 = arith.subf %add3A_34, %mul3A_37 : vector<32x32xf32>
    %gt3A = arith.constant 0.000000e+00 : f32
    %gt3A_39 = vector.broadcast %gt3A : f32 to vector<32x32xf32>
    %gt3A_40 = arith.cmpf ogt, %sub3A_38, %gt3A_39 : vector<32x32xf32>
    %not3A = arith.constant dense<true> : vector<32x32xi1>
    %not3A_41 = arith.xori %eq3A, %not3A : vector<32x32xi1>
    %and3A = arith.andi %gt3A_40, %not3A_41 : vector<32x32xi1>
    %jit3A_42 = arith.constant 0x7F800000 : f32
    %broadcast_in_dim3A_43 = vector.broadcast %jit3A_42 : f32 to vector<32x32xf32>
    %select_n3A_44 = arith.select %and3A, %sqrt3A, %broadcast_in_dim3A_43 : vector<32x32xi1>, vector<32x32xf32>
    %get3A_45 = arith.constant 0 : index
    %get3A_46 = arith.constant 0 : index
    %get3A_47 = vector.load %arg1[%get3A_45, %get3A_46] : memref<32x256xf32, #tpu.memory_space<vmem>>, vector<32x256xf32>
    %iota3A_48 = tpu.iota {dimensions = array<i32: 0>} : vector<32x256xi32>
    %iota3A_49 = tpu.iota {dimensions = array<i32: 1>} : vector<32x256xi32>
    %jit3A_50 = arith.constant 8 : i32
    %div3A_51 = vector.broadcast %jit3A_50 : i32 to vector<32x256xi32>
    %div3A_52 = arith.divsi %iota3A_49, %div3A_51 : vector<32x256xi32>
    %sign3A = arith.constant 0 : i32
    %sign3A_53 = vector.broadcast %sign3A : i32 to vector<32x256xi32>
    %sign3A_54 = arith.cmpi sgt, %iota3A_49, %sign3A_53 : vector<32x256xi32>
    %sign3A_55 = arith.extui %sign3A_54 : vector<32x256xi1> to vector<32x256xi32>
    %sign3A_56 = arith.constant 0 : i32
    %sign3A_57 = vector.broadcast %sign3A_56 : i32 to vector<32x256xi32>
    %sign3A_58 = arith.cmpi slt, %iota3A_49, %sign3A_57 : vector<32x256xi32>
    %sign3A_59 = arith.extui %sign3A_58 : vector<32x256xi1> to vector<32x256xi32>
    %sign3A_60 = arith.subi %sign3A_55, %sign3A_59 : vector<32x256xi32>
    %sign3A_61 = arith.constant 0 : i32
    %sign3A_62 = arith.cmpi sgt, %jit3A_50, %sign3A_61 : i32
    %sign3A_63 = arith.extui %sign3A_62 : i1 to i32
    %sign3A_64 = arith.constant 0 : i32
    %sign3A_65 = arith.cmpi slt, %jit3A_50, %sign3A_64 : i32
    %sign3A_66 = arith.extui %sign3A_65 : i1 to i32
    %sign3A_67 = arith.subi %sign3A_63, %sign3A_66 : i32
    %ne3A = vector.broadcast %sign3A_67 : i32 to vector<32x256xi32>
    %ne3A_68 = arith.cmpi ne, %sign3A_60, %ne3A : vector<32x256xi32>
    %rem3A = vector.broadcast %jit3A_50 : i32 to vector<32x256xi32>
    %rem3A_69 = arith.remsi %iota3A_49, %rem3A : vector<32x256xi32>
    %ne3A_70 = arith.constant 0 : i32
    %ne3A_71 = vector.broadcast %ne3A_70 : i32 to vector<32x256xi32>
    %ne3A_72 = arith.cmpi ne, %rem3A_69, %ne3A_71 : vector<32x256xi32>
    %and3A_73 = arith.andi %ne3A_68, %ne3A_72 : vector<32x256xi1>
    %sub3A_74 = arith.constant 1 : i32
    %sub3A_75 = vector.broadcast %sub3A_74 : i32 to vector<32x256xi32>
    %sub3A_76 = arith.subi %div3A_52, %sub3A_75 : vector<32x256xi32>
    %select_n3A_77 = arith.select %and3A_73, %sub3A_76, %div3A_52 : vector<32x256xi1>, vector<32x256xi32>
    %eq3A_78 = arith.cmpi eq, %select_n3A_77, %iota3A_48 : vector<32x256xi32>
    %get3A_79 = arith.constant 0 : index
    %get3A_80 = arith.constant 0 : index
    %get3A_81 = vector.load %arg2[%get3A_79, %get3A_80] : memref<1x256xf32, #tpu.memory_space<vmem>>, vector<1x256xf32>
    %reduce_min3A = arith.constant dense<0x7F800000> : vector<32xf32>
    %reduce_min3A_82 = vector.multi_reduction <minimumf>, %select_n3A_44, %reduce_min3A [1] : vector<32x32xf32> to vector<32xf32>
    %broadcast_in_dim3A_83 = vector.shape_cast %reduce_min3A_82 : vector<32xf32> to vector<32x1xf32>
    %eq3A_84 = vector.broadcast %broadcast_in_dim3A_83 : vector<32x1xf32> to vector<32x32xf32>
    %eq3A_85 = arith.cmpf oeq, %select_n3A_44, %eq3A_84 : vector<32x32xf32>
    %jit3A_86 = arith.constant 32 : i32
    %broadcast_in_dim3A_87 = vector.broadcast %jit3A_86 : i32 to vector<32x32xi32>
    %select_n3A_88 = arith.select %eq3A_85, %iota3A_23, %broadcast_in_dim3A_87 : vector<32x32xi1>, vector<32x32xi32>
    %reduce_min3A_89 = arith.constant dense<2147483647> : vector<32xi32>
    %reduce_min3A_90 = vector.multi_reduction <minsi>, %select_n3A_88, %reduce_min3A_89 [1] : vector<32x32xi32> to vector<32xi32>
    %broadcast_in_dim3A_91 = vector.shape_cast %reduce_min3A_90 : vector<32xi32> to vector<32x1xi32>
    %eq3A_92 = vector.broadcast %broadcast_in_dim3A_91 : vector<32x1xi32> to vector<32x32xi32>
    %eq3A_93 = arith.cmpi eq, %iota3A_23, %eq3A_92 : vector<32x32xi32>
    %convert_element_type3A = arith.extui %eq3A_93 : vector<32x32xi1> to vector<32x32xi32>
    %convert_element_type3A_94 = arith.sitofp %convert_element_type3A : vector<32x32xi32> to vector<32x32xf32>
    %dot_general3A = arith.constant dense<0.000000e+00> : vector<32x256xf32>
    %dot_general3A_95 = tpu.matmul %convert_element_type3A_94, %get3A_47, %dot_general3A {dimension_numbers = #tpu.dot_dimension_numbers<[1], [0], [0], [1], [0, 0, 1, 1], [], []>, transpose_lhs_hint = false} : vector<32x32xf32>, vector<32x256xf32>, vector<32x256xf32> -> vector<32x256xf32>
    %sub3A_96 = vector.broadcast %get3A_81 : vector<1x256xf32> to vector<32x256xf32>
    %sub3A_97 = arith.subf %sub3A_96, %dot_general3A_95 : vector<32x256xf32>
    %abs3A = math.absf %sub3A_97 : vector<32x256xf32>
    %jit3A_98 = arith.constant 0.000000e+00 : f32
    %broadcast_in_dim3A_99 = vector.broadcast %jit3A_98 : f32 to vector<32x256xf32>
    %select_n3A_100 = arith.select %eq3A_78, %abs3A, %broadcast_in_dim3A_99 : vector<32x256xi1>, vector<32x256xf32>
    %reduce_sum3A_101 = arith.constant dense<0.000000e+00> : vector<32xf32>
    %reduce_sum3A_102 = vector.multi_reduction <add>, %select_n3A_100, %reduce_sum3A_101 [1] : vector<32x256xf32> to vector<32xf32>
    %broadcast_in_dim3A_103 = vector.shape_cast %reduce_sum3A_102 : vector<32xf32> to vector<32x1xf32>
    %neg3A = arith.constant 0.000000e+00 : f32
    %neg3A_104 = vector.broadcast %neg3A : f32 to vector<32x1xf32>
    %neg3A_105 = arith.subf %neg3A_104, %broadcast_in_dim3A_83 : vector<32x1xf32>
    %eq3A_106 = vector.broadcast %broadcast_in_dim3A_91 : vector<32x1xi32> to vector<32x32xi32>
    %eq3A_107 = arith.cmpi eq, %iota3A_23, %eq3A_106 : vector<32x32xi32>
    %jit3A_108 = arith.constant 0x7F800000 : f32
    %broadcast_in_dim3A_109 = vector.broadcast %jit3A_108 : f32 to vector<32x32xf32>
    %select_n3A_110 = arith.select %eq3A_107, %broadcast_in_dim3A_109, %select_n3A_44 : vector<32x32xi1>, vector<32x32xf32>
    %reduce_min3A_111 = arith.constant dense<0x7F800000> : vector<32xf32>
    %reduce_min3A_112 = vector.multi_reduction <minimumf>, %select_n3A_110, %reduce_min3A_111 [1] : vector<32x32xf32> to vector<32xf32>
    %broadcast_in_dim3A_113 = vector.shape_cast %reduce_min3A_112 : vector<32xf32> to vector<32x1xf32>
    %eq3A_114 = vector.broadcast %broadcast_in_dim3A_113 : vector<32x1xf32> to vector<32x32xf32>
    %eq3A_115 = arith.cmpf oeq, %select_n3A_110, %eq3A_114 : vector<32x32xf32>
    %jit3A_116 = arith.constant 32 : i32
    %broadcast_in_dim3A_117 = vector.broadcast %jit3A_116 : i32 to vector<32x32xi32>
    %select_n3A_118 = arith.select %eq3A_115, %iota3A_23, %broadcast_in_dim3A_117 : vector<32x32xi1>, vector<32x32xi32>
    %reduce_min3A_119 = arith.constant dense<2147483647> : vector<32xi32>
    %reduce_min3A_120 = vector.multi_reduction <minsi>, %select_n3A_118, %reduce_min3A_119 [1] : vector<32x32xi32> to vector<32xi32>
    %broadcast_in_dim3A_121 = vector.shape_cast %reduce_min3A_120 : vector<32xi32> to vector<32x1xi32>
    %eq3A_122 = vector.broadcast %broadcast_in_dim3A_121 : vector<32x1xi32> to vector<32x32xi32>
    %eq3A_123 = arith.cmpi eq, %iota3A_23, %eq3A_122 : vector<32x32xi32>
    %convert_element_type3A_124 = arith.extui %eq3A_123 : vector<32x32xi1> to vector<32x32xi32>
    %convert_element_type3A_125 = arith.sitofp %convert_element_type3A_124 : vector<32x32xi32> to vector<32x32xf32>
    %dot_general3A_126 = arith.constant dense<0.000000e+00> : vector<32x256xf32>
    %dot_general3A_127 = tpu.matmul %convert_element_type3A_125, %get3A_47, %dot_general3A_126 {dimension_numbers = #tpu.dot_dimension_numbers<[1], [0], [0], [1], [0, 0, 1, 1], [], []>, transpose_lhs_hint = false} : vector<32x32xf32>, vector<32x256xf32>, vector<32x256xf32> -> vector<32x256xf32>
    %sub3A_128 = vector.broadcast %get3A_81 : vector<1x256xf32> to vector<32x256xf32>
    %sub3A_129 = arith.subf %sub3A_128, %dot_general3A_127 : vector<32x256xf32>
    %abs3A_130 = math.absf %sub3A_129 : vector<32x256xf32>
    %jit3A_131 = arith.constant 0.000000e+00 : f32
    %broadcast_in_dim3A_132 = vector.broadcast %jit3A_131 : f32 to vector<32x256xf32>
    %select_n3A_133 = arith.select %eq3A_78, %abs3A_130, %broadcast_in_dim3A_132 : vector<32x256xi1>, vector<32x256xf32>
    %reduce_sum3A_134 = arith.constant dense<0.000000e+00> : vector<32xf32>
    %reduce_sum3A_135 = vector.multi_reduction <add>, %select_n3A_133, %reduce_sum3A_134 [1] : vector<32x256xf32> to vector<32xf32>
    %broadcast_in_dim3A_136 = vector.shape_cast %reduce_sum3A_135 : vector<32xf32> to vector<32x1xf32>
    %neg3A_137 = arith.constant 0.000000e+00 : f32
    %neg3A_138 = vector.broadcast %neg3A_137 : f32 to vector<32x1xf32>
    %neg3A_139 = arith.subf %neg3A_138, %broadcast_in_dim3A_113 : vector<32x1xf32>
    %eq3A_140 = vector.broadcast %broadcast_in_dim3A_121 : vector<32x1xi32> to vector<32x32xi32>
    %eq3A_141 = arith.cmpi eq, %iota3A_23, %eq3A_140 : vector<32x32xi32>
    %jit3A_142 = arith.constant 0x7F800000 : f32
    %broadcast_in_dim3A_143 = vector.broadcast %jit3A_142 : f32 to vector<32x32xf32>
    %select_n3A_144 = arith.select %eq3A_141, %broadcast_in_dim3A_143, %select_n3A_110 : vector<32x32xi1>, vector<32x32xf32>
    %reduce_min3A_145 = arith.constant dense<0x7F800000> : vector<32xf32>
    %reduce_min3A_146 = vector.multi_reduction <minimumf>, %select_n3A_144, %reduce_min3A_145 [1] : vector<32x32xf32> to vector<32xf32>
    %broadcast_in_dim3A_147 = vector.shape_cast %reduce_min3A_146 : vector<32xf32> to vector<32x1xf32>
    %eq3A_148 = vector.broadcast %broadcast_in_dim3A_147 : vector<32x1xf32> to vector<32x32xf32>
    %eq3A_149 = arith.cmpf oeq, %select_n3A_144, %eq3A_148 : vector<32x32xf32>
    %jit3A_150 = arith.constant 32 : i32
    %broadcast_in_dim3A_151 = vector.broadcast %jit3A_150 : i32 to vector<32x32xi32>
    %select_n3A_152 = arith.select %eq3A_149, %iota3A_23, %broadcast_in_dim3A_151 : vector<32x32xi1>, vector<32x32xi32>
    %reduce_min3A_153 = arith.constant dense<2147483647> : vector<32xi32>
    %reduce_min3A_154 = vector.multi_reduction <minsi>, %select_n3A_152, %reduce_min3A_153 [1] : vector<32x32xi32> to vector<32xi32>
    %broadcast_in_dim3A_155 = vector.shape_cast %reduce_min3A_154 : vector<32xi32> to vector<32x1xi32>
    %eq3A_156 = vector.broadcast %broadcast_in_dim3A_155 : vector<32x1xi32> to vector<32x32xi32>
    %eq3A_157 = arith.cmpi eq, %iota3A_23, %eq3A_156 : vector<32x32xi32>
    %convert_element_type3A_158 = arith.extui %eq3A_157 : vector<32x32xi1> to vector<32x32xi32>
    %convert_element_type3A_159 = arith.sitofp %convert_element_type3A_158 : vector<32x32xi32> to vector<32x32xf32>
    %dot_general3A_160 = arith.constant dense<0.000000e+00> : vector<32x256xf32>
    %dot_general3A_161 = tpu.matmul %convert_element_type3A_159, %get3A_47, %dot_general3A_160 {dimension_numbers = #tpu.dot_dimension_numbers<[1], [0], [0], [1], [0, 0, 1, 1], [], []>, transpose_lhs_hint = false} : vector<32x32xf32>, vector<32x256xf32>, vector<32x256xf32> -> vector<32x256xf32>
    %sub3A_162 = vector.broadcast %get3A_81 : vector<1x256xf32> to vector<32x256xf32>
    %sub3A_163 = arith.subf %sub3A_162, %dot_general3A_161 : vector<32x256xf32>
    %abs3A_164 = math.absf %sub3A_163 : vector<32x256xf32>
    %jit3A_165 = arith.constant 0.000000e+00 : f32
    %broadcast_in_dim3A_166 = vector.broadcast %jit3A_165 : f32 to vector<32x256xf32>
    %select_n3A_167 = arith.select %eq3A_78, %abs3A_164, %broadcast_in_dim3A_166 : vector<32x256xi1>, vector<32x256xf32>
    %reduce_sum3A_168 = arith.constant dense<0.000000e+00> : vector<32xf32>
    %reduce_sum3A_169 = vector.multi_reduction <add>, %select_n3A_167, %reduce_sum3A_168 [1] : vector<32x256xf32> to vector<32xf32>
    %broadcast_in_dim3A_170 = vector.shape_cast %reduce_sum3A_169 : vector<32xf32> to vector<32x1xf32>
    %neg3A_171 = arith.constant 0.000000e+00 : f32
    %neg3A_172 = vector.broadcast %neg3A_171 : f32 to vector<32x1xf32>
    %neg3A_173 = arith.subf %neg3A_172, %broadcast_in_dim3A_147 : vector<32x1xf32>
    %concatenate3A = tpu.concatenate %neg3A_105, %neg3A_139, %neg3A_173 in 1 : vector<32x1xf32>, vector<32x1xf32>, vector<32x1xf32> -> vector<32x3xf32>
    %reduce_max3A = arith.constant dense<0xFF800000> : vector<32xf32>
    %reduce_max3A_174 = vector.multi_reduction <maximumf>, %concatenate3A, %reduce_max3A [1] : vector<32x3xf32> to vector<32xf32>
    %broadcast_in_dim3A_175 = vector.shape_cast %reduce_max3A_174 : vector<32xf32> to vector<32x1xf32>
    %sub3A_176 = vector.broadcast %broadcast_in_dim3A_175 : vector<32x1xf32> to vector<32x3xf32>
    %sub3A_177 = arith.subf %concatenate3A, %sub3A_176 : vector<32x3xf32>
    %exp3A = math.exp %sub3A_177 : vector<32x3xf32>
    %reduce_sum3A_178 = arith.constant dense<0.000000e+00> : vector<32xf32>
    %reduce_sum3A_179 = vector.multi_reduction <add>, %exp3A, %reduce_sum3A_178 [1] : vector<32x3xf32> to vector<32xf32>
    %broadcast_in_dim3A_180 = vector.shape_cast %reduce_sum3A_179 : vector<32xf32> to vector<32x1xf32>
    %div3A_181 = vector.broadcast %broadcast_in_dim3A_180 : vector<32x1xf32> to vector<32x3xf32>
    %div3A_182 = arith.divf %exp3A, %div3A_181 : vector<32x3xf32>
    %concatenate3A_183 = tpu.concatenate %broadcast_in_dim3A_103, %broadcast_in_dim3A_136, %broadcast_in_dim3A_170 in 1 : vector<32x1xf32>, vector<32x1xf32>, vector<32x1xf32> -> vector<32x3xf32>
    %mul3A_184 = arith.mulf %div3A_182, %concatenate3A_183 : vector<32x3xf32>
    %reduce_sum3A_185 = arith.constant dense<0.000000e+00> : vector<32xf32>
    %reduce_sum3A_186 = vector.multi_reduction <add>, %mul3A_184, %reduce_sum3A_185 [1] : vector<32x3xf32> to vector<32xf32>
    %broadcast_in_dim3A_187 = vector.shape_cast %reduce_sum3A_186 : vector<32xf32> to vector<32x1xf32>
    %reduce_sum3A_188 = arith.constant dense<0.000000e+00> : vector<1xf32>
    %reduce_sum3A_189 = vector.multi_reduction <add>, %broadcast_in_dim3A_187, %reduce_sum3A_188 [0] : vector<32x1xf32> to vector<1xf32>
    %broadcast_in_dim3A_190 = vector.shape_cast %reduce_sum3A_189 : vector<1xf32> to vector<1x1xf32>
    %swap3A = arith.constant 0 : index
    %swap3A_191 = arith.constant 0 : index
    %swap3A_192 = vector.load %arg3[%swap3A, %swap3A_191] : memref<1x1xf32, #tpu.memory_space<vmem>>, vector<1x1xf32>
    tpu.vector_store %arg3[%swap3A, %swap3A_191], %broadcast_in_dim3A_190 {strides = array<i32>} : memref<1x1xf32, #tpu.memory_space<vmem>>, vector<1x1xf32>,
    return
  }
}

</mosaic_0001>

<sc_bundles>
// kernel: kernel.5.cloned.1.call-start
scs
__scs_entry_jumppad:
0x0: {  	(pc) =	sbr.rel $0x88, $3  }
0x1: {  	(tag) =	ssettag $0x0;
	lr =	simm.s32 $0x1  }
0x2: {  	[smem:$0x3F9D] =	sst lr;
	_ =	strace $0xD0000000  }
0x3: {  	_ = 	snop  }
0x4: {  	_ = 	snop  }
0x5: {  	_ = 	snop  }
0x6: {  	_ = 	snop  }
0x7: {  	_ = 	snop  }
__scs_overlays_trampoline_lowered:
0x8: {  	[smem:$0x3FAC] =	sst s0  }
0x9: {  	[smem:$0x3FAD] =	sst s1  }
0xa: {  	[smem:$0x3FAE] =	sst s2  }
0xb: {  	[smem:$0x3FAF] =	sst s3  }
0xc: {  	[smem:$0x3FB0] =	sst s4  }
0xd: {  	[smem:$0x3FB1] =	sst s5  }
0xe: {  	[smem:$0x3FB2] =	sst s6  }
0xf: {  	[smem:$0x3FB3] =	sst s7  }
0x10: {  	[smem:$0x3FB4] =	sst s8  }
0x11: {  	[smem:$0x3FB5] =	sst s9;
	s0 =	simm.s32 @!p0 $0x0  }
0x12: {  	s1 =	sld [smem:$0x3F9B];
	s0 =	simm.s32 @p0 $0x1  }
0x13: {  	[smem:$0x3FB6] =	sst s0;
	s0 =	simm.s32 @!p1 $0x0  }
0x14: {  	s2 =	sld [smem:$0x3F9A];
	s0 =	simm.s32 @p1 $0x1  }
0x15: {  	[smem:$0x3FB7] =	sst s0;
	s0 =	simm.s32 @!p2 $0x0  }
0x16: {  	s3 =	sld [smem:$0x3FDB];
	s0 =	simm.s32 @p2 $0x1  }
0x17: {  	s4 =	simm.s32 $0x1BF5;
	[smem:$0x3FB9] =	sst s0  }
0x18: {  	s0 =	sld [smem:$0x3F9C];
	_ =	swait.ge [sflag:s4], $0x0  }
0x19: {  	s7 =	sld [smem:$0x3F9D]  }
0x1a: {  	s8 =	sadd.s32 $0xFFFFE003, lr  }
0x1b: {  	s9 =	sadd.s32 $0xFFFFFEF7, lr;
	s5 =	simm.s32 $0xFFFFFFFF;
	p2 =	slt.u32 s8, $0xFFFFF086  }
0x1c: {  	p1 =	slt.u32 s9, $0xF7A;
	s5 =	simm.s32 @!p2 $0x0  }
0x1d: {  	s5 =	simm.s32 @p1 $0x1;
	p0 =	seq.s32 s7, s2  }
0x1e: {  	s7 =	smul.u32 @!p0 $0xF7A, s2;
	p2 =	seq.s32 @!p0 s5, $0x0  }
0x1f: {  	s9 =	smul.u32 $0xF7A, s1;
	s8 =	simm.s32 @!p0 $0x1BF5;
	p2 =	por !p2, p0  }
0x20: {  	[sflag:s8] =	ssyncset.s32 @!p0 $0xFFFFF086;
	s6 =	sadd.s32 @!p0 s3, s7;
	s7 =	simm.s32 @!p0 $0x108  }
0x21: {  	s3 =	sadd.s32 s3, s9;
	s6 =	sadd.s32 @!p0 $0x88, s6;
	s7 =	simm.s32 @p2 $0x1082  }
0x22: {  	[simem:s7], [sflag:s8] =	dma.local @!p0 [hbm:s6], $0xF7A  }
0x23: {  	s9 =	sor.u32 $0xD0000000, s2;
	s6 =	simm.s32 $0x108;
	_ =	swait.ge @!p0 [sflag:s8], $0x0  }
0x24: {  	s3 =	sadd.s32 $0x88, s3;
	s6 =	simm.s32 @!p1 $0x1082;
	[sflag:s4] =	ssyncset.s32 $0xFFFFF086  }
0x25: {  	[simem:s6], [sflag:s4] =	dma.local [hbm:s3], $0xF7A  }
0x26: {  	[smem:$0x3F9D] =	sst s1;
	(tag) =	ssettag s2;
	_ =	strace s9  }
0x27: {  	s1 =	sld [smem:$0x3FAD]  }
0x28: {  	s2 =	sld [smem:$0x3FAE]  }
0x29: {  	s4 =	sld [smem:$0x3FB0]  }
0x2a: {  	p0 =	seq.s32 s5, $0x0;
	s5 =	sld [smem:$0x3FB1]  }
0x2b: {  	s6 =	sld [smem:$0x3FB2]  }
0x2c: {  	s7 =	sld [smem:$0x3FB3]  }
0x2d: {  	s3 =	simm.s32 $0x108;
	s8 =	sld [smem:$0x3FB4]  }
0x2e: {  	s3 =	simm.s32 @!p0 $0x1082;
	s9 =	sld [smem:$0x3FB5]  }
0x2f: {  	lr =	sadd.s32 s0, s3;
	s0 =	sld [smem:$0x3FAC]  }
0x30: {  	s3 =	sld [smem:$0x3FAF]  }
0x31: {  	[smem:$0x3FB8] =	sst s10  }
0x32: {  	s10 =	sld [smem:$0x3FB6];
	_ =	sdelay $0x3  }
0x33: {  	p0 =	seq.s32 s10, $0x1;
	s10 =	sld [smem:$0x3FB8];
	_ =	sdelay $0x3  }
0x34: {  	[smem:$0x3FB8] =	sst s10  }
0x35: {  	s10 =	sld [smem:$0x3FB7];
	_ =	sdelay $0x3  }
0x36: {  	p1 =	seq.s32 s10, $0x1;
	s10 =	sld [smem:$0x3FB8];
	_ =	sdelay $0x3  }
0x37: {  	[smem:$0x3FB8] =	sst s10  }
0x38: {  	s10 =	sld [smem:$0x3FB9]  }
0x39: {  	_ = 	snop;
	(pc) =	sbr.ind lr, $3  }
0x3a: {  	_ = 	snop  }
0x3b: {  	_ = 	snop  }
0x3c: {  	p2 =	seq.s32 s10, $0x1;
	s10 =	sld [smem:$0x3FB8]  }
0x3d: {  	_ =	shalt  }
0x3e: {  	_ =	shalt  }
0x3f: {  	_ =	shalt  }
0x40: {  	_ =	shalt  }
0x41: {  	_ =	shalt  }
0x42: {  	_ =	shalt  }
0x43: {  	_ =	shalt  }
0x44: {  	_ =	shalt  }
0x45: {  	_ =	shalt  }
0x46: {  	_ =	shalt  }
0x47: {  	_ =	shalt  }
0x48: {  	_ =	shalt  }
0x49: {  	_ =	shalt  }
0x4a: {  	_ =	shalt  }
0x4b: {  	_ =	shalt  }
0x4c: {  	_ =	shalt  }
0x4d: {  	_ =	shalt  }
0x4e: {  	_ =	shalt  }
0x4f: {  	_ =	shalt  }
0x50: {  	_ =	shalt  }
0x51: {  	_ =	shalt  }
0x52: {  	_ =	shalt  }
0x53: {  	_ =	shalt  }
0x54: {  	_ =	shalt  }
0x55: {  	_ =	shalt  }
0x56: {  	_ =	shalt  }
0x57: {  	_ =	shalt  }
0x58: {  	_ =	shalt  }
0x59: {  	_ =	shalt  }
0x5a: {  	_ =	shalt  }
0x5b: {  	_ =	shalt  }
0x5c: {  	_ =	shalt  }
0x5d: {  	_ =	shalt  }
0x5e: {  	_ =	shalt  }
0x5f: {  	_ =	shalt  }
0x60: {  	_ =	shalt  }
0x61: {  	_ =	shalt  }
0x62: {  	_ =	shalt  }
0x63: {  	_ =	shalt  }
0x64: {  	_ =	shalt  }
0x65: {  	_ =	shalt  }
0x66: {  	_ =	shalt  }
0x67: {  	_ =	shalt  }
0x68: {  	_ =	shalt  }
0x69: {  	_ =	shalt  }
0x6a: {  	_ =	shalt  }
0x6b: {  	_ =	shalt  }
0x6c: {  	_ =	shalt  }
0x6d: {  	_ =	shalt  }
0x6e: {  	_ =	shalt  }
0x6f: {  	_ =	shalt  }
0x70: {  	_ =	shalt  }
0x71: {  	_ =	shalt  }
0x72: {  	_ =	shalt  }
0x73: {  	_ =	shalt  }
0x74: {  	_ =	shalt  }
0x75: {  	_ =	shalt  }
0x76: {  	_ =	shalt  }
0x77: {  	_ =	shalt  }
0x78: {  	_ =	shalt  }
0x79: {  	_ =	shalt  }
0x7a: {  	_ =	shalt  }
0x7b: {  	_ =	shalt  }
0x7c: {  	_ =	shalt  }
0x7d: {  	_ =	shalt  }
0x7e: {  	_ =	shalt  }
0x7f: {  	_ =	shalt  }
0x80: {  	_ =	shalt  }
0x81: {  	_ =	shalt  }
0x82: {  	_ =	shalt  }
0x83: {  	_ =	shalt  }
0x84: {  	_ =	shalt  }
0x85: {  	_ =	shalt  }
0x86: {  	_ =	shalt  }
0x87: {  	_ =	shalt  }
.Lfunc_end0:
.L_simem_size_0:
called_computation_lowered:
.L_overlay_start_0:
0x88: {  	s2 =	sld [smem:$0x3FD9]  }
0x89: {  	s3 =	sld [smem:$0x3FFE];
	_ =	sdelay $0x1  }
0x8a: {  	s1 =	srdreg.scid  }
0x8b: {  	s0 =	sand.u32 $0x1, s1  }
0x8c: {  	s16 =	sshll.u32 s0, $0xA;
	s2 =	sadd.s32 s3, s2  }
0x8d: {  	s2 =	sadd.s32 s2, s16  }
0x8e: {  	[smem:$0x3FC4] =	sst s2  }
0x8f: {  	_ = 	snop  }
0x90: {  	(tm) =	ssettm $0x1  }
0x91: {  	s17 =	sld [smem:$0x3FFB];
	_ =	sdelay $0x3  }
0x92: {  	_ =	strace s17  }
0x93: {  	s2 =	sld [smem:$0x3FFC];
	_ =	sdelay $0x3  }
0x94: {  	_ =	strace s2  }
0x95: {  	s2 =	sld [smem:$0x3FFD];
	_ =	sdelay $0x3  }
0x96: {  	_ =	strace s2  }
0x97: {  	_ =	strace $0x8FFFFFFF  }
0x98: {  	s18 =	sld [smem:$0x3FDB];
	_ =	sdelay $0x1  }
0x99: {  	s19 =	simm.s32 $_scs_section_size  }
0x9a: {  	s4 =	simm.s32 $_size__tile_overlayer_lowered;
	s5 =	simm.s32 $_tile_overlayer_lowered  }
0x9b: {  	s22 =	simm.s32 $0x1BFF;
	s21 =	sshll.u32 s5, $0x1;
	s2 =	sadd.s32 s19, s18  }
0x9c: {  	s6 =	simm.s32 $0x0;
	s20 =	sshll.u32 s4, $0x1;
	s4 =	sadd.s32 s21, s2  }
0x9d: {  	[timem:s6], [sflag:s22] =	dma.local [hbm:s4], s20  }
0x9e: {  	_ =	swait.ge [sflag:s22], s20  }
0x9f: {  	s3 =	ssub.s32 $0x0, s20;
	[sflag:s22] =	ssyncset.done $0x0  }
0xa0: {  	[sflag:s22] =	ssyncadd.s32 s3;
	_ =	sdelay $0x1  }
0xa1: {  	s23 =	simm.s32 $0x1B8B  }
0xa2: {  	_ =	swait.ge [sflag:s23], $0x1  }
0xa3: {  	[sflag:s23] =	ssyncset.done $0x0  }
0xa4: {  	s25 =	simm.s32 $0x1B8E;
	s24 =	sld [smem:$0x3FFE];
	[sflag:s23] =	ssyncadd.s32 $0xFFFFFFFF  }
0xa5: {  	s26 =	simm.s32 $execute0_lowered;
	[smem:$0x3FD2] =	sst s25  }
0xa6: {  	s4 =	sshll.u32 s26, $0x1;
	_ =	strace $0x80000046;
	[dreg:$0x1] =	wrdreg $0xFFFFFFFF  }
0xa7: {  	s28 =	simm.s32 $_size_execute0_lowered;
	s2 =	sadd.s32 s2, s4;
	[dreg:$0x0] =	wrdreg $0x0  }
0xa8: {  	s4 =	sshll.u32 s28, $0x1;
	[dreg:$0x2] =	wrdreg s2  }
0xa9: {  	[dreg:$0x3] =	wrdreg s4  }
0xaa: {  	[dreg:$0x4] =	wrdreg $0xC0  }
0xab: {  	_ =	task [dreg:s6], $0x5FFFF  }
0xac: {  	[dreg:$0x1] =	wrdreg $0xFFFFFFFF  }
0xad: {  	[dreg:$0x0] =	wrdreg $0x60  }
0xae: {  	[dreg:$0x2] =	wrdreg s24  }
0xaf: {  	[dreg:$0x3] =	wrdreg $0x9  }
0xb0: {  	_ =	task.clear_ibuf [dreg:s6], $0x4FFFF;
	_ =	strace $0x90000046  }
0xb1: {  	s29 =	simm.s32 $0x9;
	_ =	strace $0x80000048  }
0xb2: {  	_ =	swait.ge [sflag:s29], $0x1  }
0xb3: {  	[sflag:s29] =	ssyncadd.s32 $0xFFFFFFFF  }
0xb4: {  	_ =	strace $0x90000048  }
0xb5: {  	_ =	sfence  }
0xb6: {  	s30 =	sld [smem:$0x0];
	_ =	sdelay $0x2  }
0xb7: {  	s31 =	sshll.u32 s1, $0xD;
	s1 =	sshrl.u32 s1, $0x2  }
0xb8: {  	s3 =	sand.u32 $0x4000, s31;
	s1 =	sadd.s32 s1, s30  }
0xb9: {  	s0 =	sor.u32 s3, s0;
	s1 =	sshll.u32 s1, $0x11  }
0xba: {  	s0 =	sor.u32 s1, s0  }
0xbb: {  	s0 =	sadd.s32 $0x8F2B, s0  }
0xbc: {  	[sflag:s0] =	ssyncadd.remote.s32 $0x1  }
0xbd: {  	_ =	sfence.sel $0xFFFF  }
0xbe: {  	[dreg:$0x0] =	wrdreg $0xFFFFFFFF;
	(pc) =	sbr.abs _section_cstart, $3  }
0xbf: {  	[dreg:$0x1] =	wrdreg $0xFFFFFFFF  }
0xc0: {  	_ =	task.clear_ibuf [dreg:s6], $0x2FFFF;
	_ =	strace $0x9FFFFFFF  }
0xc1: {  	(tm) =	ssettm $0x7FFFFFFF  }
tec
execute0_lowered:
.L_overlay_start_1:
0x0: {  	(tag) =	ssettag $0x1  }
0x1: {  	s1 =	stileid.u32;
	s3 =	srdreg.scid  }
0x2: {  	s4 =	rddreg [dreg:$0x0];
	s5 =	sand.u32 $0x1, s3;
	s30 =	sshll.u32 s1, $0x1  }
0x3: {  	s6 =	sshll.u32 s1, $0x6;
	s7 =	sor.u32 s5, s30;
	s5 =	ssub.s32 $0x2, s5  }
0x4: {  	s3 =	sadd.s32 $0xE00, s4;
	s6 =	sand.u32 $0x300, s6;
	s31 =	sshrl.u32 s5, $0x1  }
0x5: {  	s10 =	sadd.s32 $0x20E00, s4;
	s6 =	sadd.s32 s6, s4;
	s4 =	ssub.s32 s5, s31  }
0x6: {  	s11 =	smax.u32 s4, $0x1  }
0x7: {  	s0 =	rddreg [dreg:$0x1];
	s2 =	simm.s32 $0x0;
	p1 =	sne.s32 s11, $0x1  }
.Ltmp0:
0x8: {  	p0 =	por $0x0, $0x0;
	[smem:$0x7FF] =	sst s2;
	(pc) =	sbr.rel @!p1 .LBB2_3-.Ltmp0, $4  }
0x9: {  	_ =	strace $0x80000047;
	s8 =	sshll.u32 s7, $0x4;
	s9 =	sshll.u32 s7, $0xF  }
0xa: {  	s7 =	simm.s32 $0x1;
	s8 =	sand.u32 $0x70, s8;
	v0 =	vmov s9;
	s9 =	simm.s32 $0x400  }
0xb: {  	s6 =	sadd.s32 s8, s6;
	s4 =	simm.s32 $0x2;
	s8 =	simm.s32 $0x80  }
0xc: {  	s5 =	sadd.s32 $0x21000, s6;
	s6 =	simm.s32 $0x100;
	s11 =	sadd.s32 $0xFFFFFFFF, s11  }
0xd: {  	[tilespmem:s2], [sflag:$0x2] =	stream.linear.gather [hbm4b:s10+s2], $0x100, $0x38;
	[tilespmem:$0x200] =	vst v63  }
0xe: {  	_ =	swait.ge [sflag:s4], $0x100  }
0xf: {  	[sflag:s4] =	ssyncset.done $0x0  }
0x10: {  	p1 =	sne.s32 s11, $0x1;
	[sflag:s4] =	ssyncadd.s32 $0xFFFFFF00  }
.Ltmp1:
0x11: {  	v3 =	vld [tilespmem:$0x30];
	(pc) =	sbr.rel @!p1 .LBB2_3-.Ltmp1, $4  }
0x12: {  	v5 =	vld [tilespmem:$0xF0]  }
0x13: {  	v4 =	vld [tilespmem:$0x40]  }
0x14: {  	v1 =	vld [tilespmem:$0xA0]  }
0x15: {  	s11 =	sadd.s32 $0xFFFFFFFF, s11;
	p0 =	por $0x1, $0x1;
	v2 =	vld [tilespmem:$0x80]  }
.LBB2_2:
0x16: {  	p1 =	sne.s32 s11, $0x1;
	s11 =	sadd.s32 $0xFFFFFFFF, s11;
	v6 =	vld [tilespmem:$0x90]  }
0x17: {  	v3 =	vadd.s32 v0, v3;
	v7 =	vld [tilespmem:$0x50];
	v5 =	vadd.s32 v0, v5  }
0x18: {  	v8 =	vld [tilespmem:$0x20];
	v4 =	vadd.s32 v0, v4;
	[tilespmem:$0xF0] =	vst v5  }
0x19: {  	[tilespmem:$0x40] =	vst v4;
	v4 =	vld [tilespmem:$0x60];
	v1 =	vadd.s32 v0, v1  }
0x1a: {  	v5 =	vld [tilespmem:$0x10];
	[tilespmem:$0x30] =	vst v3;
	v2 =	vadd.s32 v0, v2  }
0x1b: {  	[tilespmem:$0x80] =	vst v2;
	v2 =	vadd.s32 v0, v6;
	v3 =	vld [tilespmem:$0xB0]  }
0x1c: {  	v6 =	vadd.s32 v0, v7;
	v7 =	vld [tilespmem:$0x70];
	[tilespmem:$0x90] =	vst v2  }
0x1d: {  	v2 =	vld [tilespmem:$0x0];
	v8 =	vadd.s32 v0, v8;
	[tilespmem:$0x50] =	vst v6  }
0x1e: {  	[tilespmem:$0x20] =	vst v8;
	v4 =	vadd.s32 v0, v4;
	v6 =	vld [tilespmem:$0xC0]  }
0x1f: {  	v5 =	vadd.s32 v0, v5;
	[tilespmem:$0x60] =	vst v4;
	v4 =	vld [tilespmem:$0xD0]  }
0x20: {  	[tilespmem:$0x10] =	vst v5;
	v3 =	vadd.s32 v0, v3;
	v5 =	vld [tilespmem:$0xE0]  }
0x21: {  	v7 =	vadd.s32 v0, v7;
	[tilespmem:$0xB0] =	vst v3  }
0x22: {  	v2 =	vadd.s32 v0, v2;
	[tilespmem:$0x70] =	vst v7  }
0x23: {  	[tilespmem:$0xA0] =	vst v1;
	v1 =	vadd.s32 v0, v6  }
0x24: {  	[tilespmem:$0xC0] =	vst v1;
	v1 =	vadd.s32 v0, v4  }
0x25: {  	[tilespmem:$0x0] =	vst v2;
	v2 =	vadd.s32 v0, v5  }
0x26: {  	[tilespmem:$0xD0] =	vst v1  }
0x27: {  	[tilespmem:$0xE0] =	vst v2  }
0x28: {  	[tilespmem:s6], [sflag:$0x1] =	stream.indirect.gather [hbm4b:s3+s6], $0x1, s2, s6, $0xb8;
	[tilespmem:$0x200] =	vst v63  }
0x29: {  	_ =	swait.ge [sflag:s7], $0x100  }
0x2a: {  	[sflag:s7] =	ssyncset.done $0x0  }
0x2b: {  	[sflag:s7] =	ssyncadd.s32 $0xFFFFFF00  }
0x2c: {  	[hbm4b:s5+s8] =	stream.strided.scatter [tilespmem:s6], [sflag:$0x2], $0x100, s9, s8, $0x38;
	[tilespmem:$0x200] =	vst v63  }
0x2d: {  	_ =	swait.ge [sflag:s4], $0x100  }
0x2e: {  	[sflag:s4] =	ssyncset.done $0x0  }
0x2f: {  	[sflag:s4] =	ssyncadd.s32 $0xFFFFFF00  }
0x30: {  	[tilespmem:s2], [sflag:$0x2] =	stream.linear.gather [hbm4b:s10+s2], $0x100, $0x38;
	[tilespmem:$0x200] =	vst v63  }
0x31: {  	_ =	swait.ge [sflag:s4], $0x100  }
0x32: {  	[sflag:s4] =	ssyncset.done $0x0  }
0x33: {  	[sflag:s4] =	ssyncadd.s32 $0xFFFFFF00  }
.Ltmp2:
0x34: {  	v3 =	vld [tilespmem:$0x30];
	(pc) =	sbr.rel @p1 .LBB2_2-.Ltmp2, $4  }
0x35: {  	v5 =	vld [tilespmem:$0xF0]  }
0x36: {  	v4 =	vld [tilespmem:$0x40]  }
0x37: {  	v1 =	vld [tilespmem:$0xA0]  }
0x38: {  	v2 =	vld [tilespmem:$0x80]  }
.LBB2_3:
0x39: {  	v6 =	vld @p0 [tilespmem:$0x90];
	v3 =	vadd.s32 @p0 v0, v3  }
0x3a: {  	v7 =	vld @p0 [tilespmem:$0x50];
	v5 =	vadd.s32 @p0 v0, v5;
	[tilespmem:$0x30] =	vst @p0 v3  }
0x3b: {  	v8 =	vld @p0 [tilespmem:$0x20];
	v4 =	vadd.s32 @p0 v0, v4;
	[tilespmem:$0xF0] =	vst @p0 v5  }
0x3c: {  	[tilespmem:$0x40] =	vst @p0 v4;
	v4 =	vld @p0 [tilespmem:$0x60];
	v1 =	vadd.s32 @p0 v0, v1  }
0x3d: {  	v5 =	vld @p0 [tilespmem:$0x10];
	v2 =	vadd.s32 @p0 v0, v2;
	[tilespmem:$0xA0] =	vst @p0 v1  }
0x3e: {  	v3 =	vld @p0 [tilespmem:$0xB0];
	[tilespmem:$0x80] =	vst @p0 v2;
	v2 =	vadd.s32 @p0 v0, v6  }
0x3f: {  	v6 =	vadd.s32 @p0 v0, v7;
	v7 =	vld @p0 [tilespmem:$0x70];
	[tilespmem:$0x90] =	vst @p0 v2  }
0x40: {  	v2 =	vadd.s32 @p0 v0, v8;
	[tilespmem:$0x50] =	vst @p0 v6;
	v6 =	vld @p0 [tilespmem:$0x0]  }
0x41: {  	[tilespmem:$0x20] =	vst @p0 v2;
	v2 =	vadd.s32 @p0 v0, v4;
	v4 =	vld @p0 [tilespmem:$0xC0]  }
0x42: {  	v5 =	vadd.s32 @p0 v0, v5;
	[tilespmem:$0x60] =	vst @p0 v2;
	v2 =	vld @p0 [tilespmem:$0xD0]  }
0x43: {  	v3 =	vadd.s32 @p0 v0, v3;
	[tilespmem:$0x10] =	vst @p0 v5;
	v5 =	vld @p0 [tilespmem:$0xE0]  }
0x44: {  	[tilespmem:$0xB0] =	vst @p0 v3;
	v7 =	vadd.s32 @p0 v0, v7  }
0x45: {  	[tilespmem:$0x70] =	vst @p0 v7;
	v3 =	vadd.s32 @p0 v0, v6  }
0x46: {  	[tilespmem:$0x0] =	vst @p0 v3;
	v1 =	vadd.s32 @p0 v0, v4  }
0x47: {  	[tilespmem:$0xC0] =	vst @p0 v1;
	v1 =	vadd.s32 @p0 v0, v2  }
0x48: {  	v2 =	vadd.s32 @p0 v0, v5;
	[tilespmem:$0xD0] =	vst @p0 v1  }
0x49: {  	[tilespmem:$0xE0] =	vst @p0 v2  }
0x4a: {  	[tilespmem:s6], [sflag:$0x1] =	stream.indirect.gather @p0 [hbm4b:s3+s6], $0x1, s2, s6, $0xb8;
	[tilespmem:$0x200] =	vst v63  }
0x4b: {  	_ =	swait.ge @p0 [sflag:s7], $0x100  }
0x4c: {  	[sflag:s7] =	ssyncset.done @p0 $0x0  }
0x4d: {  	[sflag:s7] =	ssyncadd.s32 @p0 $0xFFFFFF00  }
0x4e: {  	[hbm4b:s5+s8] =	stream.strided.scatter @p0 [tilespmem:s6], [sflag:$0x2], $0x100, s9, s8, $0x38;
	[tilespmem:$0x200] =	vst v63  }
0x4f: {  	_ =	swait.ge @p0 [sflag:s4], $0x100  }
0x50: {  	[sflag:s4] =	ssyncset.done @p0 $0x0  }
0x51: {  	[sflag:s4] =	ssyncadd.s32 @p0 $0xFFFFFF00  }
0x52: {  	[tilespmem:s2], [sflag:$0x2] =	stream.linear.gather [hbm4b:s10+s2], $0x100, $0x38;
	[tilespmem:$0x200] =	vst v63  }
0x53: {  	_ =	swait.ge [sflag:s4], $0x100  }
0x54: {  	[sflag:s4] =	ssyncset.done $0x0  }
0x55: {  	[sflag:s4] =	ssyncadd.s32 $0xFFFFFF00  }
0x56: {  	v39 =	vld [tilespmem:$0xF0]  }
0x57: {  	v40 =	vld [tilespmem:$0x40]  }
0x58: {  	v41 =	vld [tilespmem:$0x30]  }
0x59: {  	v42 =	vld [tilespmem:$0x80]  }
0x5a: {  	v43 =	vld [tilespmem:$0x90]  }
0x5b: {  	v44 =	vld [tilespmem:$0x50];
	v1 =	vadd.s32 v0, v39  }
0x5c: {  	v45 =	vld [tilespmem:$0x20];
	v2 =	vadd.s32 v0, v40;
	[tilespmem:$0xF0] =	vst v1  }
0x5d: {  	v48 =	vld [tilespmem:$0x10];
	v46 =	vadd.s32 v0, v41;
	[tilespmem:$0x40] =	vst v2  }
0x5e: {  	v51 =	vld [tilespmem:$0xB0];
	v49 =	vadd.s32 v0, v42;
	[tilespmem:$0x30] =	vst v46  }
0x5f: {  	v53 =	vld [tilespmem:$0x70];
	v50 =	vadd.s32 v0, v43;
	[tilespmem:$0x80] =	vst v49  }
0x60: {  	v55 =	vld [tilespmem:$0xC0];
	v52 =	vadd.s32 v0, v44;
	[tilespmem:$0x90] =	vst v50  }
0x61: {  	v56 =	vld [tilespmem:$0x0];
	v7 =	vadd.s32 v0, v45;
	[tilespmem:$0x50] =	vst v52  }
0x62: {  	v57 =	vld [tilespmem:$0xD0];
	v3 =	vadd.s32 v0, v48;
	[tilespmem:$0x20] =	vst v7  }
0x63: {  	v59 =	vld [tilespmem:$0xE0];
	v58 =	vadd.s32 v0, v51;
	[tilespmem:$0x10] =	vst v3  }
0x64: {  	v47 =	vld [tilespmem:$0x60];
	v6 =	vadd.s32 v0, v53;
	[tilespmem:$0xB0] =	vst v58  }
0x65: {  	v54 =	vld [tilespmem:$0xA0];
	v60 =	vadd.s32 v0, v55;
	[tilespmem:$0x70] =	vst v6  }
0x66: {  	v61 =	vadd.s32 v0, v56;
	[tilespmem:$0xC0] =	vst v60  }
0x67: {  	v62 =	vadd.s32 v0, v57;
	[tilespmem:$0x0] =	vst v61  }
0x68: {  	v63 =	vadd.s32 v0, v59;
	[tilespmem:$0xD0] =	vst v62  }
0x69: {  	v2 =	vadd.s32 v0, v47;
	[tilespmem:$0xE0] =	vst v63  }
0x6a: {  	v1 =	vadd.s32 v0, v54;
	[tilespmem:$0x60] =	vst v2  }
0x6b: {  	[tilespmem:$0xA0] =	vst v1  }
0x6c: {  	[tilespmem:s6], [sflag:$0x1] =	stream.indirect.gather [hbm4b:s3+s6], $0x1, s2, s6, $0xb8;
	[tilespmem:$0x200] =	vst v63  }
0x6d: {  	_ =	swait.ge [sflag:s7], $0x100  }
0x6e: {  	[sflag:s7] =	ssyncset.done $0x0  }
0x6f: {  	[sflag:s7] =	ssyncadd.s32 $0xFFFFFF00  }
0x70: {  	[hbm4b:s5+s8] =	stream.strided.scatter [tilespmem:s6], [sflag:$0x2], $0x100, s9, s8, $0x38;
	[tilespmem:$0x200] =	vst v63  }
0x71: {  	_ =	swait.ge [sflag:s4], $0x100  }
0x72: {  	[sflag:s4] =	ssyncset.done $0x0  }
0x73: {  	[sflag:s4] =	ssyncadd.s32 $0xFFFFFF00  }
0x74: {  	_ =	sfence.sel $0x180000  }
0x75: {  	[bflag:$0x0] =	sbarrier.arrive $0xFFFF  }
0x76: {  	p0 =	sne.s32 s1, $0x0;
	_ =	strace $0x90000047  }
0x77: {  	s0 =	sadd.s32 @!p0 $0x100000, s0;
	[bflag:$0x2] =	sbarrier.arrive $0xFFFF  }
0x78: {  	[sflag:s0] =	ssyncadd.tile.s32 @!p0 $0x1;
	_ =	shalt  }
.Lfunc_end2:
_tile_overlayer_lowered:
.L_overlay_start_2:
0x79: {  	(tag) =	ssettag $0x2  }
0x7a: {  	s0 =	rddreg [dreg:$0x0];
	s2 =	stileid.u32  }
0x7b: {  	s1 =	rddreg [dreg:$0x1];
	p0 =	sne.s32 s2, $0x0  }
0x7c: {  	s3 =	rddreg [dreg:$0x2];
	[bflag:$0x3] =	sbarrier.arrive $0xFFFF;
	s2 =	simm.s32 @!p0 $0x1C02  }
0x7d: {  	[timem:s3], [sflag:s2] =	dma.local @!p0 [hbm:s0], s1  }
0x7e: {  	s0 =	simm.s32 @!p0 $0x2  }
0x7f: {  	_ =	swait.ge @!p0 [sflag:s0], s1  }
0x80: {  	s1 =	ssub.s32 @!p0 $0x0, s1;
	[sflag:s0] =	ssyncset.done @!p0 $0x0  }
0x81: {  	[sflag:s0] =	ssyncadd.s32 @!p0 s1  }
0x82: {  	[bflag:$0x3] =	sbarrier.arrive $0xFFFF  }
0x83: {  	_ =	shalt  }

</sc_bundles>
